<compile_context>
chip_gen: v7x
topology: tpu7x:2x2x1
jax: 0.10.2.dev20260603
libtpu: 0.0.44.dev20260713+nightly
codegen_flags: <defaults>
</compile_context>

<pallas_src>
import dataclasses
import functools

import jax
import jax.numpy as jnp
from jax import lax
from jax.experimental import pallas as pl
from jax.experimental.pallas import tpu as pltpu
from jax.experimental.pallas import tpu_sc as plsc

_B, _N1, _N2 = 16, 1024, 1024
_R = 256
_NBLK = _N1 // _R
_NROWS = _B * _N1
_GW = 128
_NC, _NS = 2, 16
_NW = _NC * _NS
_BPW = _NROWS // _NW


def _gt_idx_body(tgt_ref, gt_ref, idx16_ref, lane_ref):
    b = pl.program_id(0)
    r = pl.program_id(1)
    nt = tgt_ref[b]
    gx = gt_ref[0]
    col = lax.broadcasted_iota(jnp.int32, (_R, _N2), 1)
    neg = jnp.float32(-jnp.inf)
    mg = jnp.where(col < nt, gx, neg)
    g1 = jnp.max(mg, axis=1, keepdims=True)
    gidx = jnp.min(jnp.where(mg == g1, col, _N2), axis=1, keepdims=True)
    row = b * _N1 + r * _R + lax.broadcasted_iota(jnp.int32, (_R, 1), 0)
    idx16_ref[...] = row * (_N2 // _GW) + lax.shift_right_logical(gidx, 7)
    lane_ref[...] = lax.bitwise_and(gidx, _GW - 1)


def _top2_body(tgt_ref, pred_ref, m1_ref, m2_ref):
    b = pl.program_id(0)
    nt = tgt_ref[b]
    px = pred_ref[0]
    col = lax.broadcasted_iota(jnp.int32, (_R, _N2), 1)
    neg = jnp.float32(-jnp.inf)
    mp = jnp.where(col < nt, px, neg)
    h = jnp.maximum(mp[:, :512], mp[:, 512:])
    l = jnp.minimum(mp[:, :512], mp[:, 512:])
    for w in (256, 128):
        h1, h2 = h[:, :w], h[:, w:]
        l = jnp.maximum(jnp.minimum(h1, h2), jnp.maximum(l[:, :w], l[:, w:]))
        h = jnp.maximum(h1, h2)
    m1 = jnp.max(h, axis=1, keepdims=True)
    is_m1 = h == m1
    m2h_strict = jnp.max(jnp.where(is_m1, neg, h), axis=1, keepdims=True)
    dup = jnp.sum(jnp.where(is_m1, 1, 0), axis=1, keepdims=True) > 1
    m2h = jnp.where(dup, m1, m2h_strict)
    m1_ref[...] = m1
    m2_ref[...] = jnp.maximum(m2h, jnp.max(l, axis=1, keepdims=True))


def _sc_gather(table, idx16, lane):
    mesh = plsc.VectorSubcoreMesh(core_axis_name="c", subcore_axis_name="s")
    cp = pltpu.CompilerParams()
    if "needs_layout_passes" in pltpu.CompilerParams.__dataclass_fields__:
        cp = dataclasses.replace(cp, needs_layout_passes=False)

    @functools.partial(
        pl.kernel,
        mesh=mesh,
        compiler_params=cp,
        out_type=jax.ShapeDtypeStruct((_NROWS,), jnp.float32),
        scratch_types=[
            pltpu.VMEM((_BPW,), jnp.int32),
            pltpu.VMEM((_BPW,), jnp.int32),
            pltpu.VMEM((_BPW, _GW), jnp.float32),
            pltpu.VMEM((_BPW,), jnp.float32),
            pltpu.SemaphoreType.DMA,
        ],
    )
    def k(table_hbm, idx_hbm, lane_hbm, out_hbm, idx_v, lane_v, rows_v, out_v, sem):
        wid = lax.axis_index("s") * _NC + lax.axis_index("c")
        base = wid * _BPW
        pltpu.sync_copy(idx_hbm.at[pl.ds(base, _BPW)], idx_v)
        pltpu.sync_copy(lane_hbm.at[pl.ds(base, _BPW)], lane_v)
        pltpu.async_copy(table_hbm.at[idx_v], rows_v, sem).wait()
        i16 = lax.iota(jnp.int32, 16)

        @pl.loop(0, _BPW, step=16)
        def _(c):
            rid = i16 + c
            lv = lane_v[pl.ds(c, 16)]
            out_v[pl.ds(c, 16)] = plsc.load_gather(rows_v, [rid, lv])

        pltpu.sync_copy(out_v, out_hbm.at[pl.ds(base, _BPW)])

    return k(table, idx16, lane)


def _combine_body(src_ref, m1_ref, m2_ref, pag_ref, out_ref):
    m1 = m1_ref[...]
    m2 = m2_ref[...]
    pag = pag_ref[...]
    bi = lax.broadcasted_iota(jnp.int32, (_B, _N1), 0)
    ri = lax.broadcasted_iota(jnp.int32, (_B, _N1), 1)
    ns_b = jnp.zeros((_B, _N1), jnp.int32)
    for b in range(_B):
        ns_b = jnp.where(bi == b, src_ref[b], ns_b)
    sel = jnp.where(pag == m1, m2, m1)
    contrib = jnp.log(sel) - jnp.log(pag)
    total = jnp.sum(jnp.where(ri < ns_b, contrib, 0.0))
    n_sum = lax.fori_loop(
        0, _B, lambda i, s: s + src_ref[i].astype(jnp.float32), jnp.float32(0.0)
    )
    out_ref[0, 0] = total / n_sum


def kernel(pred_dsmat, gt_perm, src_ns, tgt_ns):
    pred_dsmat = pred_dsmat.astype(jnp.float32)
    gt_perm = gt_perm.astype(jnp.float32)

    idx16, lane = pl.pallas_call(
        _gt_idx_body,
        grid=(_B, _NBLK),
        in_specs=[
            pl.BlockSpec(memory_space=pltpu.SMEM),
            pl.BlockSpec((1, _R, _N2), lambda b, r: (b, r, 0)),
        ],
        out_specs=[
            pl.BlockSpec((_R, 1), lambda b, r: (b * _NBLK + r, 0)),
            pl.BlockSpec((_R, 1), lambda b, r: (b * _NBLK + r, 0)),
        ],
        out_shape=[
            jax.ShapeDtypeStruct((_NROWS, 1), jnp.int32),
            jax.ShapeDtypeStruct((_NROWS, 1), jnp.int32),
        ],
    )(tgt_ns, gt_perm)

    m1, m2 = pl.pallas_call(
        _top2_body,
        grid=(_B, _NBLK),
        in_specs=[
            pl.BlockSpec(memory_space=pltpu.SMEM),
            pl.BlockSpec((1, _R, _N2), lambda b, r: (b, r, 0)),
        ],
        out_specs=[
            pl.BlockSpec((_R, 1), lambda b, r: (b * _NBLK + r, 0)),
            pl.BlockSpec((_R, 1), lambda b, r: (b * _NBLK + r, 0)),
        ],
        out_shape=[
            jax.ShapeDtypeStruct((_NROWS, 1), jnp.float32),
            jax.ShapeDtypeStruct((_NROWS, 1), jnp.float32),
        ],
    )(tgt_ns, pred_dsmat)

    table = pred_dsmat.reshape(_B * _N1 * (_N2 // _GW), _GW)
    pag = _sc_gather(table, idx16.reshape(_NROWS), lane.reshape(_NROWS))

    out = pl.pallas_call(
        _combine_body,
        in_specs=[
            pl.BlockSpec(memory_space=pltpu.SMEM),
            pl.BlockSpec((_B, _N1), lambda: (0, 0)),
            pl.BlockSpec((_B, _N1), lambda: (0, 0)),
            pl.BlockSpec((_B, _N1), lambda: (0, 0)),
        ],
        out_specs=pl.BlockSpec(memory_space=pltpu.SMEM),
        out_shape=jax.ShapeDtypeStruct((1, 1), jnp.float32),
    )(
        src_ns,
        m1.reshape(_B, _N1),
        m2.reshape(_B, _N1),
        pag.reshape(_B, _N1),
    )
    return out[0, 0]

# --- scband reference (transcript-rebuilt; emitter-appended) ---
"""Pipeline reference for scband-cwloss-36885179138249 (READ-ONLY COPY).

The authoritative reference and input builder live on the scoring server;
editing this copy changes nothing except your own understanding.
"""

import jax, jax.numpy as jnp
import numpy as np


def setup_inputs(seed: int = 0) -> dict:
    key = jax.random.key(seed)
    k1, k2, k3, k4 = jax.random.split(key, 4)
    b, n1, n2 = 16, 1024, 1024
    # predicted doubly-stochastic matrix entries must lie in [0, 1]; keep strictly > 0 to avoid log(0)
    pred_dsmat = jax.random.uniform(k1, (b, n1, n2), dtype=jnp.float32, minval=1e-6, maxval=1.0)
    gt_perm = jax.random.uniform(k2, (b, n1, n2), dtype=jnp.float32)
    # number of valid nodes per instance; keep >= 2 so top-2 selection along last dim is valid
    src_ns = jax.random.randint(k3, (b,), 512, n1 + 1, dtype=jnp.int32)
    tgt_ns = jax.random.randint(k4, (b,), 512, n2 + 1, dtype=jnp.int32)
    return {"pred_dsmat": pred_dsmat, "gt_perm": gt_perm, "src_ns": src_ns, "tgt_ns": tgt_ns}


def _hard_label_mc_target(outputs, y):
    # outputs: [n, m] probabilities; y: [n] gt indices
    ind_sorted = jnp.argsort(outputs, axis=-1)
    top1 = ind_sorted[:, -1]
    top2 = ind_sorted[:, -2]
    is_top1_gt = top1 == y
    y_t = jnp.where(is_top1_gt, top2, top1)
    return y_t


def _nll_sum(logp, target):
    # F.nll_loss(logp, target, reduction='sum') == -sum_i logp[i, target[i]]
    picked = jnp.take_along_axis(logp, target[:, None], axis=1)
    return -jnp.sum(picked)


def reference(pred_dsmat, gt_perm, src_ns, tgt_ns):
    pred_dsmat = pred_dsmat.astype(jnp.float32)
    batch_num, n1, n2 = pred_dsmat.shape
    row_ids = jnp.arange(n1)
    col_ids = jnp.arange(n2)
    loss = jnp.asarray(0.0, dtype=jnp.float32)
    n_sum = jnp.asarray(0.0, dtype=jnp.float32)
    for b in range(batch_num):
        ns = src_ns[b]
        nt = tgt_ns[b]
        row_mask = row_ids < ns
        col_mask = col_ids < nt
        cur_pred_dsmat = jnp.where(col_mask[None, :], pred_dsmat[b], -jnp.inf)
        cur_gt_perm = jnp.where(col_mask[None, :], gt_perm[b], -jnp.inf)
        gt_index = jnp.argmax(cur_gt_perm, axis=-1)
        top2_index = _hard_label_mc_target(cur_pred_dsmat, gt_index)
        logp = jnp.where(row_mask[:, None], jnp.log(pred_dsmat[b]), 0.0)
        loss = loss + _nll_sum(logp, gt_index)
        loss = loss - _nll_sum(logp, top2_index)
        n_sum = n_sum + ns.astype(jnp.float32)
    return loss / n_sum

if __name__ == "__main__":
    import jax
    _d = setup_inputs()
    print(jax.jit(kernel)(*tuple(_d.values())))

</pallas_src>

<mosaic_0001>
#map = affine_map<(d0, d1) -> (0, 0)>
#map1 = affine_map<(d0, d1) -> (0)>
module attributes {stable_mosaic.version = 14 : i64} {
  func.func @k(%arg0: i32, %arg1: i32, %arg2: memref<131072x128xf32, #tpu.memory_space<hbm>>, %arg3: memref<16384xi32, #tpu.memory_space<hbm>>, %arg4: memref<16384xi32, #tpu.memory_space<hbm>>, %arg5: memref<16384xf32, #tpu.memory_space<hbm>>, %arg6: memref<512xi32, #tpu.memory_space<vmem>>, %arg7: memref<512xi32, #tpu.memory_space<vmem>>, %arg8: memref<512x128xf32, #tpu.memory_space<vmem>>, %arg9: memref<512xf32, #tpu.memory_space<vmem>>, %arg10: memref<!tpu.dma_semaphore, #tpu.memory_space<semaphore_mem>>) attributes {dimension_semantics = [#tpu.dimension_semantics<core_parallel>, #tpu.dimension_semantics<subcore_parallel>], iteration_bounds = array<i64: 2, 16>, scalar_prefetch = 0 : i64, scratch_operands = 5 : i64, tpu.core_type = #tpu.core_type<sc_vector_subcore>, window_params = [{transform_indices = #map}, {transform_indices = #map1}, {transform_indices = #map1}, {transform_indices = #map1}]} {
    %mul3A = arith.constant 2 : i32
    %mul3A_0 = arith.muli %arg1, %mul3A : i32
    %add3A = arith.addi %mul3A_0, %arg0 : i32
    %mul3A_1 = arith.constant 512 : i32
    %mul3A_2 = arith.muli %add3A, %mul3A_1 : i32
    "tpu.region"() ({
      %run_scoped3A = tpu.sem_alloc : memref<!tpu.dma_semaphore, #tpu.memory_space<semaphore_mem>>
      %dma_start3A_11 = tpu.memref_slice %arg3[%mul3A_2] : memref<16384xi32, #tpu.memory_space<hbm>> -> memref<512xi32, #tpu.memory_space<hbm>>
      %dma_start3A_12 = tpu.memref_slice %arg3[%mul3A_2] : memref<16384xi32, #tpu.memory_space<hbm>> -> memref<512xi32, #tpu.memory_space<hbm>>
      tpu.enqueue_dma source(%dma_start3A_12 : memref<512xi32, #tpu.memory_space<hbm>>) target(%arg6 : memref<512xi32, #tpu.memory_space<vmem>>) target_semaphore(%run_scoped3A : memref<!tpu.dma_semaphore, #tpu.memory_space<semaphore_mem>>)
      %dma_wait3A_13 = tpu.memref_slice %arg3[%mul3A_2] : memref<16384xi32, #tpu.memory_space<hbm>> -> memref<512xi32, #tpu.memory_space<hbm>>
      %dma_wait3A_14 = tpu.memref_slice %arg3[%mul3A_2] : memref<16384xi32, #tpu.memory_space<hbm>> -> memref<512xi32, #tpu.memory_space<hbm>>
      tpu.wait_dma2 semaphore(%run_scoped3A : memref<!tpu.dma_semaphore, #tpu.memory_space<semaphore_mem>>) src(%dma_wait3A_14 : memref<512xi32, #tpu.memory_space<hbm>>) dst(%arg6 : memref<512xi32, #tpu.memory_space<vmem>>)
      tpu.yield
    }) : () -> ()
    "tpu.region"() ({
      %run_scoped3A = tpu.sem_alloc : memref<!tpu.dma_semaphore, #tpu.memory_space<semaphore_mem>>
      %dma_start3A_11 = tpu.memref_slice %arg4[%mul3A_2] : memref<16384xi32, #tpu.memory_space<hbm>> -> memref<512xi32, #tpu.memory_space<hbm>>
      %dma_start3A_12 = tpu.memref_slice %arg4[%mul3A_2] : memref<16384xi32, #tpu.memory_space<hbm>> -> memref<512xi32, #tpu.memory_space<hbm>>
      tpu.enqueue_dma source(%dma_start3A_12 : memref<512xi32, #tpu.memory_space<hbm>>) target(%arg7 : memref<512xi32, #tpu.memory_space<vmem>>) target_semaphore(%run_scoped3A : memref<!tpu.dma_semaphore, #tpu.memory_space<semaphore_mem>>)
      %dma_wait3A_13 = tpu.memref_slice %arg4[%mul3A_2] : memref<16384xi32, #tpu.memory_space<hbm>> -> memref<512xi32, #tpu.memory_space<hbm>>
      %dma_wait3A_14 = tpu.memref_slice %arg4[%mul3A_2] : memref<16384xi32, #tpu.memory_space<hbm>> -> memref<512xi32, #tpu.memory_space<hbm>>
      tpu.wait_dma2 semaphore(%run_scoped3A : memref<!tpu.dma_semaphore, #tpu.memory_space<semaphore_mem>>) src(%dma_wait3A_14 : memref<512xi32, #tpu.memory_space<hbm>>) dst(%arg7 : memref<512xi32, #tpu.memory_space<vmem>>)
      tpu.yield
    }) : () -> ()
    %dma_start3A = arith.constant 0 : i32
    %dma_start3A_3 = arith.constant 0 : i32
    %dma_start3A_4 = tpu.memref_slice %arg2[%dma_start3A, %dma_start3A_3] : memref<131072x128xf32, #tpu.memory_space<hbm>> -> memref<131072x128xf32, #tpu.memory_space<hbm>>
    tpu.enqueue_indirect_dma source(%dma_start3A_4 : memref<131072x128xf32, #tpu.memory_space<hbm>>) target(%arg8 : memref<512x128xf32, #tpu.memory_space<vmem>>) offsets(%arg6 : memref<512xi32, #tpu.memory_space<vmem>>) semaphore(%arg10 : memref<!tpu.dma_semaphore, #tpu.memory_space<semaphore_mem>>)
    %dma_wait3A = arith.constant 0 : i32
    %dma_wait3A_5 = arith.constant 0 : i32
    %dma_wait3A_6 = tpu.memref_slice %arg2[%dma_wait3A, %dma_wait3A_5] : memref<131072x128xf32, #tpu.memory_space<hbm>> -> memref<131072x128xf32, #tpu.memory_space<hbm>>
    tpu.wait_indirect_dma semaphore(%arg10 : memref<!tpu.dma_semaphore, #tpu.memory_space<semaphore_mem>>) src(%dma_wait3A_6 : memref<131072x128xf32, #tpu.memory_space<hbm>>) dst(%arg8 : memref<512x128xf32, #tpu.memory_space<vmem>>)
    %iota3A = tpu.iota {dimensions = array<i32: 0>} : vector<16xi32>
    %scan3A = arith.constant 0 : i32
    %scan3A_7 = arith.constant 32 : i32
    %scan3A_8 = arith.addi %scan3A, %scan3A_7 : i32
    %scan3A_9 = arith.constant 1 : i32
    scf.for %scan3A_11 = %scan3A to %scan3A_8 step %scan3A_9  : i32 {
      %mul3A_12 = arith.constant 16 : i32
      %mul3A_13 = arith.muli %scan3A_11, %mul3A_12 : i32
      %add3A_14 = arith.constant 0 : i32
      %add3A_15 = arith.addi %add3A_14, %mul3A_13 : i32
      %add3A_16 = vector.broadcast %add3A_15 : i32 to vector<16xi32>
      %add3A_17 = arith.addi %iota3A, %add3A_16 : vector<16xi32>
      %get3A = arith.index_cast %add3A_15 : i32 to index
      %get3A_18 = tpu.vector_load %arg7[%get3A] {strides = array<i32>} : memref<512xi32, #tpu.memory_space<vmem>>, vector<16xi32>,
      %gather3A = tpu.vector_load_idx %arg8[%add3A_17, %get3A_18] : memref<512x128xf32, #tpu.memory_space<vmem>>[vector<16xi32>, vector<16xi32>], vector<16xf32>,
      %swap3A = arith.index_cast %add3A_15 : i32 to index
      %swap3A_19 = tpu.vector_load %arg9[%swap3A] {strides = array<i32>} : memref<512xf32, #tpu.memory_space<vmem>>, vector<16xf32>,
      tpu.vector_store %arg9[%swap3A], %gather3A {strides = array<i32>} : memref<512xf32, #tpu.memory_space<vmem>>, vector<16xf32>,
    }
    %scan3A_10 = arith.constant 32 : i32
    "tpu.region"() ({
      %run_scoped3A = tpu.sem_alloc : memref<!tpu.dma_semaphore, #tpu.memory_space<semaphore_mem>>
      %dma_start3A_11 = tpu.memref_slice %arg5[%mul3A_2] : memref<16384xf32, #tpu.memory_space<hbm>> -> memref<512xf32, #tpu.memory_space<hbm>>
      %dma_start3A_12 = tpu.memref_slice %arg5[%mul3A_2] : memref<16384xf32, #tpu.memory_space<hbm>> -> memref<512xf32, #tpu.memory_space<hbm>>
      tpu.enqueue_dma source(%arg9 : memref<512xf32, #tpu.memory_space<vmem>>) target(%dma_start3A_12 : memref<512xf32, #tpu.memory_space<hbm>>) target_semaphore(%run_scoped3A : memref<!tpu.dma_semaphore, #tpu.memory_space<semaphore_mem>>)
      %dma_wait3A_13 = tpu.memref_slice %arg5[%mul3A_2] : memref<16384xf32, #tpu.memory_space<hbm>> -> memref<512xf32, #tpu.memory_space<hbm>>
      %dma_wait3A_14 = tpu.memref_slice %arg5[%mul3A_2] : memref<16384xf32, #tpu.memory_space<hbm>> -> memref<512xf32, #tpu.memory_space<hbm>>
      tpu.wait_dma2 semaphore(%run_scoped3A : memref<!tpu.dma_semaphore, #tpu.memory_space<semaphore_mem>>) src(%arg9 : memref<512xf32, #tpu.memory_space<vmem>>) dst(%dma_wait3A_14 : memref<512xf32, #tpu.memory_space<hbm>>)
      tpu.yield
    }) : () -> ()
    return
  }
}

module attributes {stable_mosaic.version = 14 : i64} {
  func.func @_gt_idx_body(%arg0: i32, %arg1: i32, %arg2: memref<16xi32, #tpu.memory_space<smem>>, %arg3: memref<1x256x1024xf32, #tpu.memory_space<vmem>>, %arg4: memref<256x1xi32, #tpu.memory_space<vmem>>, %arg5: memref<256x1xi32, #tpu.memory_space<vmem>>) attributes {dimension_semantics = [#tpu.dimension_semantics<arbitrary>, #tpu.dimension_semantics<arbitrary>], iteration_bounds = array<i64: 16, 4>, scalar_prefetch = 0 : i64, scratch_operands = 0 : i64, tpu.core_type = #tpu.core_type<tc>, window_params = [{transform_indices = @transform_0, window_bounds = array<i64: 16>}, {transform_indices = @transform_1, window_bounds = array<i64: 1, 256, 1024>}, {transform_indices = @transform_2, window_bounds = array<i64: 256, 1>}, {transform_indices = @transform_3, window_bounds = array<i64: 256, 1>}]} {
    %get3A = arith.index_cast %arg0 : i32 to index
    %get3A_0 = memref.load %arg2[%get3A] : memref<16xi32, #tpu.memory_space<smem>>
    %get3A_1 = arith.constant 0 : index
    %get3A_2 = arith.constant 0 : index
    %get3A_3 = arith.constant 0 : index
    %get3A_4 = vector.load %arg3[%get3A_1, %get3A_2, %get3A_3] : memref<1x256x1024xf32, #tpu.memory_space<vmem>>, vector<1x256x1024xf32>
    %get3A_5 = vector.shape_cast %get3A_4 : vector<1x256x1024xf32> to vector<256x1024xf32>
    %iota3A = tpu.iota {dimensions = array<i32: 1>} : vector<256x1024xi32>
    %lt3A = vector.broadcast %get3A_0 : i32 to vector<256x1024xi32>
    %lt3A_6 = arith.cmpi slt, %iota3A, %lt3A : vector<256x1024xi32>
    %jit3A = arith.constant 0xFF800000 : f32
    %broadcast_in_dim3A = vector.broadcast %jit3A : f32 to vector<256x1024xf32>
    %select_n3A = arith.select %lt3A_6, %get3A_5, %broadcast_in_dim3A : vector<256x1024xi1>, vector<256x1024xf32>
    %reduce_max3A = arith.constant dense<0xFF800000> : vector<256xf32>
    %reduce_max3A_7 = vector.multi_reduction <maximumf>, %select_n3A, %reduce_max3A [1] : vector<256x1024xf32> to vector<256xf32>
    %broadcast_in_dim3A_8 = vector.shape_cast %reduce_max3A_7 : vector<256xf32> to vector<256x1xf32>
    %eq3A = vector.broadcast %broadcast_in_dim3A_8 : vector<256x1xf32> to vector<256x1024xf32>
    %eq3A_9 = arith.cmpf oeq, %select_n3A, %eq3A : vector<256x1024xf32>
    %jit3A_10 = arith.constant 1024 : i32
    %broadcast_in_dim3A_11 = vector.broadcast %jit3A_10 : i32 to vector<256x1024xi32>
    %select_n3A_12 = arith.select %eq3A_9, %iota3A, %broadcast_in_dim3A_11 : vector<256x1024xi1>, vector<256x1024xi32>
    %reduce_min3A = arith.constant dense<2147483647> : vector<256xi32>
    %reduce_min3A_13 = vector.multi_reduction <minsi>, %select_n3A_12, %reduce_min3A [1] : vector<256x1024xi32> to vector<256xi32>
    %broadcast_in_dim3A_14 = vector.shape_cast %reduce_min3A_13 : vector<256xi32> to vector<256x1xi32>
    %mul3A = arith.constant 1024 : i32
    %mul3A_15 = arith.muli %arg0, %mul3A : i32
    %mul3A_16 = arith.constant 256 : i32
    %mul3A_17 = arith.muli %arg1, %mul3A_16 : i32
    %add3A = arith.addi %mul3A_15, %mul3A_17 : i32
    %iota3A_18 = tpu.iota {dimensions = array<i32: 0>} : vector<256x1xi32>
    %add3A_19 = vector.broadcast %add3A : i32 to vector<256x1xi32>
    %add3A_20 = arith.addi %add3A_19, %iota3A_18 : vector<256x1xi32>
    %mul3A_21 = arith.constant 8 : i32
    %mul3A_22 = vector.broadcast %mul3A_21 : i32 to vector<256x1xi32>
    %mul3A_23 = arith.muli %add3A_20, %mul3A_22 : vector<256x1xi32>
    %shift_right_logical3A = arith.constant 7 : i32
    %shift_right_logical3A_24 = vector.broadcast %shift_right_logical3A : i32 to vector<256x1xi32>
    %shift_right_logical3A_25 = arith.shrui %broadcast_in_dim3A_14, %shift_right_logical3A_24 : vector<256x1xi32>
    %add3A_26 = arith.addi %mul3A_23, %shift_right_logical3A_25 : vector<256x1xi32>
    %swap3A = arith.constant 0 : index
    %swap3A_27 = arith.constant 0 : index
    %swap3A_28 = vector.load %arg4[%swap3A, %swap3A_27] : memref<256x1xi32, #tpu.memory_space<vmem>>, vector<256x1xi32>
    tpu.vector_store %arg4[%swap3A, %swap3A_27], %add3A_26 {strides = array<i32>} : memref<256x1xi32, #tpu.memory_space<vmem>>, vector<256x1xi32>,
    %and3A = arith.constant 127 : i32
    %and3A_29 = vector.broadcast %and3A : i32 to vector<256x1xi32>
    %and3A_30 = arith.andi %broadcast_in_dim3A_14, %and3A_29 : vector<256x1xi32>
    %swap3A_31 = arith.constant 0 : index
    %swap3A_32 = arith.constant 0 : index
    %swap3A_33 = vector.load %arg5[%swap3A_31, %swap3A_32] : memref<256x1xi32, #tpu.memory_space<vmem>>, vector<256x1xi32>
    tpu.vector_store %arg5[%swap3A_31, %swap3A_32], %and3A_30 {strides = array<i32>} : memref<256x1xi32, #tpu.memory_space<vmem>>, vector<256x1xi32>,
    return
  }
  func.func @transform_0(%arg0: i32, %arg1: i32) -> i32 {
    %c0_i32 = arith.constant 0 : i32
    %c0_i32_0 = arith.constant 0 : i32
    return %c0_i32 : i32
  }
  func.func @transform_1(%arg0: i32, %arg1: i32) -> (i32, i32, i32) {
    %c0_i32 = arith.constant 0 : i32
    %c0_i32_0 = arith.constant 0 : i32
    return %arg0, %arg1, %c0_i32 : i32, i32, i32
  }
  func.func @transform_2(%arg0: i32, %arg1: i32) -> (i32, i32) {
    %mul3A = arith.constant 4 : i32
    %mul3A_0 = arith.muli %arg0, %mul3A : i32
    %add3A = arith.addi %mul3A_0, %arg1 : i32
    %c0_i32 = arith.constant 0 : i32
    %c0_i32_1 = arith.constant 0 : i32
    return %add3A, %c0_i32 : i32, i32
  }
  func.func @transform_3(%arg0: i32, %arg1: i32) -> (i32, i32) {
    %mul3A = arith.constant 4 : i32
    %mul3A_0 = arith.muli %arg0, %mul3A : i32
    %add3A = arith.addi %mul3A_0, %arg1 : i32
    %c0_i32 = arith.constant 0 : i32
    %c0_i32_1 = arith.constant 0 : i32
    return %add3A, %c0_i32 : i32, i32
  }
}

module attributes {stable_mosaic.version = 14 : i64} {
  func.func @_top2_body(%arg0: i32, %arg1: i32, %arg2: memref<16xi32, #tpu.memory_space<smem>>, %arg3: memref<1x256x1024xf32, #tpu.memory_space<vmem>>, %arg4: memref<256x1xf32, #tpu.memory_space<vmem>>, %arg5: memref<256x1xf32, #tpu.memory_space<vmem>>) attributes {dimension_semantics = [#tpu.dimension_semantics<arbitrary>, #tpu.dimension_semantics<arbitrary>], iteration_bounds = array<i64: 16, 4>, scalar_prefetch = 0 : i64, scratch_operands = 0 : i64, tpu.core_type = #tpu.core_type<tc>, window_params = [{transform_indices = @transform_0, window_bounds = array<i64: 16>}, {transform_indices = @transform_1, window_bounds = array<i64: 1, 256, 1024>}, {transform_indices = @transform_2, window_bounds = array<i64: 256, 1>}, {transform_indices = @transform_3, window_bounds = array<i64: 256, 1>}]} {
    %get3A = arith.index_cast %arg0 : i32 to index
    %get3A_0 = memref.load %arg2[%get3A] : memref<16xi32, #tpu.memory_space<smem>>
    %get3A_1 = arith.constant 0 : index
    %get3A_2 = arith.constant 0 : index
    %get3A_3 = arith.constant 0 : index
    %get3A_4 = vector.load %arg3[%get3A_1, %get3A_2, %get3A_3] : memref<1x256x1024xf32, #tpu.memory_space<vmem>>, vector<1x256x1024xf32>
    %get3A_5 = vector.shape_cast %get3A_4 : vector<1x256x1024xf32> to vector<256x1024xf32>
    %iota3A = tpu.iota {dimensions = array<i32: 1>} : vector<256x1024xi32>
    %lt3A = vector.broadcast %get3A_0 : i32 to vector<256x1024xi32>
    %lt3A_6 = arith.cmpi slt, %iota3A, %lt3A : vector<256x1024xi32>
    %jit3A = arith.constant 0xFF800000 : f32
    %broadcast_in_dim3A = vector.broadcast %jit3A : f32 to vector<256x1024xf32>
    %select_n3A = arith.select %lt3A_6, %get3A_5, %broadcast_in_dim3A : vector<256x1024xi1>, vector<256x1024xf32>
    %slice3A = vector.extract_strided_slice %select_n3A {offsets = [0, 0], sizes = [256, 512], strides = [1, 1]} : vector<256x1024xf32> to vector<256x512xf32>
    %slice3A_7 = vector.extract_strided_slice %select_n3A {offsets = [0, 512], sizes = [256, 512], strides = [1, 1]} : vector<256x1024xf32> to vector<256x512xf32>
    %max3A = arith.maximumf %slice3A, %slice3A_7 : vector<256x512xf32>
    %slice3A_8 = vector.extract_strided_slice %select_n3A {offsets = [0, 0], sizes = [256, 512], strides = [1, 1]} : vector<256x1024xf32> to vector<256x512xf32>
    %slice3A_9 = vector.extract_strided_slice %select_n3A {offsets = [0, 512], sizes = [256, 512], strides = [1, 1]} : vector<256x1024xf32> to vector<256x512xf32>
    %min3A = arith.minimumf %slice3A_8, %slice3A_9 : vector<256x512xf32>
    %slice3A_10 = vector.extract_strided_slice %max3A {offsets = [0, 0], sizes = [256, 256], strides = [1, 1]} : vector<256x512xf32> to vector<256x256xf32>
    %slice3A_11 = vector.extract_strided_slice %max3A {offsets = [0, 256], sizes = [256, 256], strides = [1, 1]} : vector<256x512xf32> to vector<256x256xf32>
    %min3A_12 = arith.minimumf %slice3A_10, %slice3A_11 : vector<256x256xf32>
    %slice3A_13 = vector.extract_strided_slice %min3A {offsets = [0, 0], sizes = [256, 256], strides = [1, 1]} : vector<256x512xf32> to vector<256x256xf32>
    %slice3A_14 = vector.extract_strided_slice %min3A {offsets = [0, 256], sizes = [256, 256], strides = [1, 1]} : vector<256x512xf32> to vector<256x256xf32>
    %max3A_15 = arith.maximumf %slice3A_13, %slice3A_14 : vector<256x256xf32>
    %max3A_16 = arith.maximumf %min3A_12, %max3A_15 : vector<256x256xf32>
    %max3A_17 = arith.maximumf %slice3A_10, %slice3A_11 : vector<256x256xf32>
    %slice3A_18 = vector.extract_strided_slice %max3A_17 {offsets = [0, 0], sizes = [256, 128], strides = [1, 1]} : vector<256x256xf32> to vector<256x128xf32>
    %slice3A_19 = vector.extract_strided_slice %max3A_17 {offsets = [0, 128], sizes = [256, 128], strides = [1, 1]} : vector<256x256xf32> to vector<256x128xf32>
    %min3A_20 = arith.minimumf %slice3A_18, %slice3A_19 : vector<256x128xf32>
    %slice3A_21 = vector.extract_strided_slice %max3A_16 {offsets = [0, 0], sizes = [256, 128], strides = [1, 1]} : vector<256x256xf32> to vector<256x128xf32>
    %slice3A_22 = vector.extract_strided_slice %max3A_16 {offsets = [0, 128], sizes = [256, 128], strides = [1, 1]} : vector<256x256xf32> to vector<256x128xf32>
    %max3A_23 = arith.maximumf %slice3A_21, %slice3A_22 : vector<256x128xf32>
    %max3A_24 = arith.maximumf %min3A_20, %max3A_23 : vector<256x128xf32>
    %max3A_25 = arith.maximumf %slice3A_18, %slice3A_19 : vector<256x128xf32>
    %reduce_max3A = arith.constant dense<0xFF800000> : vector<256xf32>
    %reduce_max3A_26 = vector.multi_reduction <maximumf>, %max3A_25, %reduce_max3A [1] : vector<256x128xf32> to vector<256xf32>
    %broadcast_in_dim3A_27 = vector.shape_cast %reduce_max3A_26 : vector<256xf32> to vector<256x1xf32>
    %eq3A = vector.broadcast %broadcast_in_dim3A_27 : vector<256x1xf32> to vector<256x128xf32>
    %eq3A_28 = arith.cmpf oeq, %max3A_25, %eq3A : vector<256x128xf32>
    %jit3A_29 = arith.constant 0xFF800000 : f32
    %broadcast_in_dim3A_30 = vector.broadcast %jit3A_29 : f32 to vector<256x128xf32>
    %select_n3A_31 = arith.select %eq3A_28, %broadcast_in_dim3A_30, %max3A_25 : vector<256x128xi1>, vector<256x128xf32>
    %reduce_max3A_32 = arith.constant dense<0xFF800000> : vector<256xf32>
    %reduce_max3A_33 = vector.multi_reduction <maximumf>, %select_n3A_31, %reduce_max3A_32 [1] : vector<256x128xf32> to vector<256xf32>
    %broadcast_in_dim3A_34 = vector.shape_cast %reduce_max3A_33 : vector<256xf32> to vector<256x1xf32>
    %jit3A_35 = arith.constant 1 : i32
    %jit3A_36 = arith.constant 0 : i32
    %broadcast_in_dim3A_37 = vector.broadcast %jit3A_35 : i32 to vector<256x128xi32>
    %broadcast_in_dim3A_38 = vector.broadcast %jit3A_36 : i32 to vector<256x128xi32>
    %select_n3A_39 = arith.select %eq3A_28, %broadcast_in_dim3A_37, %broadcast_in_dim3A_38 : vector<256x128xi1>, vector<256x128xi32>
    %reduce_sum3A = arith.constant dense<0> : vector<256xi32>
    %reduce_sum3A_40 = vector.multi_reduction <add>, %select_n3A_39, %reduce_sum3A [1] : vector<256x128xi32> to vector<256xi32>
    %broadcast_in_dim3A_41 = vector.shape_cast %reduce_sum3A_40 : vector<256xi32> to vector<256x1xi32>
    %gt3A = arith.constant 1 : i32
    %gt3A_42 = vector.broadcast %gt3A : i32 to vector<256x1xi32>
    %gt3A_43 = arith.cmpi sgt, %broadcast_in_dim3A_41, %gt3A_42 : vector<256x1xi32>
    %select_n3A_44 = arith.select %gt3A_43, %broadcast_in_dim3A_27, %broadcast_in_dim3A_34 : vector<256x1xi1>, vector<256x1xf32>
    %swap3A = arith.constant 0 : index
    %swap3A_45 = arith.constant 0 : index
    %swap3A_46 = vector.load %arg4[%swap3A, %swap3A_45] : memref<256x1xf32, #tpu.memory_space<vmem>>, vector<256x1xf32>
    tpu.vector_store %arg4[%swap3A, %swap3A_45], %broadcast_in_dim3A_27 {strides = array<i32>} : memref<256x1xf32, #tpu.memory_space<vmem>>, vector<256x1xf32>,
    %reduce_max3A_47 = arith.constant dense<0xFF800000> : vector<256xf32>
    %reduce_max3A_48 = vector.multi_reduction <maximumf>, %max3A_24, %reduce_max3A_47 [1] : vector<256x128xf32> to vector<256xf32>
    %broadcast_in_dim3A_49 = vector.shape_cast %reduce_max3A_48 : vector<256xf32> to vector<256x1xf32>
    %max3A_50 = arith.maximumf %select_n3A_44, %broadcast_in_dim3A_49 : vector<256x1xf32>
    %swap3A_51 = arith.constant 0 : index
    %swap3A_52 = arith.constant 0 : index
    %swap3A_53 = vector.load %arg5[%swap3A_51, %swap3A_52] : memref<256x1xf32, #tpu.memory_space<vmem>>, vector<256x1xf32>
    tpu.vector_store %arg5[%swap3A_51, %swap3A_52], %max3A_50 {strides = array<i32>} : memref<256x1xf32, #tpu.memory_space<vmem>>, vector<256x1xf32>,
    return
  }
  func.func @transform_0(%arg0: i32, %arg1: i32) -> i32 {
    %c0_i32 = arith.constant 0 : i32
    %c0_i32_0 = arith.constant 0 : i32
    return %c0_i32 : i32
  }
  func.func @transform_1(%arg0: i32, %arg1: i32) -> (i32, i32, i32) {
    %c0_i32 = arith.constant 0 : i32
    %c0_i32_0 = arith.constant 0 : i32
    return %arg0, %arg1, %c0_i32 : i32, i32, i32
  }
  func.func @transform_2(%arg0: i32, %arg1: i32) -> (i32, i32) {
    %mul3A = arith.constant 4 : i32
    %mul3A_0 = arith.muli %arg0, %mul3A : i32
    %add3A = arith.addi %mul3A_0, %arg1 : i32
    %c0_i32 = arith.constant 0 : i32
    %c0_i32_1 = arith.constant 0 : i32
    return %add3A, %c0_i32 : i32, i32
  }
  func.func @transform_3(%arg0: i32, %arg1: i32) -> (i32, i32) {
    %mul3A = arith.constant 4 : i32
    %mul3A_0 = arith.muli %arg0, %mul3A : i32
    %add3A = arith.addi %mul3A_0, %arg1 : i32
    %c0_i32 = arith.constant 0 : i32
    %c0_i32_1 = arith.constant 0 : i32
    return %add3A, %c0_i32 : i32, i32
  }
}

module attributes {stable_mosaic.version = 14 : i64} {
  func.func @_combine_body(%arg0: memref<16xi32, #tpu.memory_space<smem>>, %arg1: memref<16x1024xf32, #tpu.memory_space<vmem>>, %arg2: memref<16x1024xf32, #tpu.memory_space<vmem>>, %arg3: memref<16x1024xf32, #tpu.memory_space<vmem>>, %arg4: memref<1x1xf32, #tpu.memory_space<smem>>) attributes {dimension_semantics = [], scalar_prefetch = 0 : i64, scratch_operands = 0 : i64, tpu.core_type = #tpu.core_type<tc>} {
    %get3A = arith.constant 0 : index
    %get3A_0 = arith.constant 0 : index
    %get3A_1 = vector.load %arg1[%get3A, %get3A_0] : memref<16x1024xf32, #tpu.memory_space<vmem>>, vector<16x1024xf32>
    %get3A_2 = arith.constant 0 : index
    %get3A_3 = arith.constant 0 : index
    %get3A_4 = vector.load %arg2[%get3A_2, %get3A_3] : memref<16x1024xf32, #tpu.memory_space<vmem>>, vector<16x1024xf32>
    %get3A_5 = arith.constant 0 : index
    %get3A_6 = arith.constant 0 : index
    %get3A_7 = vector.load %arg3[%get3A_5, %get3A_6] : memref<16x1024xf32, #tpu.memory_space<vmem>>, vector<16x1024xf32>
    %iota3A = tpu.iota {dimensions = array<i32: 0>} : vector<16x1024xi32>
    %iota3A_8 = tpu.iota {dimensions = array<i32: 1>} : vector<16x1024xi32>
    %broadcast_in_dim3A = arith.constant 0 : i32
    %broadcast_in_dim3A_9 = vector.broadcast %broadcast_in_dim3A : i32 to vector<16x1024xi32>
    %eq3A = arith.constant 0 : i32
    %eq3A_10 = vector.broadcast %eq3A : i32 to vector<16x1024xi32>
    %eq3A_11 = arith.cmpi eq, %iota3A, %eq3A_10 : vector<16x1024xi32>
    %get3A_12 = arith.constant 0 : index
    %get3A_13 = memref.load %arg0[%get3A_12] : memref<16xi32, #tpu.memory_space<smem>>
    %broadcast_in_dim3A_14 = vector.broadcast %get3A_13 : i32 to vector<16x1024xi32>
    %select_n3A = arith.select %eq3A_11, %broadcast_in_dim3A_14, %broadcast_in_dim3A_9 : vector<16x1024xi1>, vector<16x1024xi32>
    %eq3A_15 = arith.constant 1 : i32
    %eq3A_16 = vector.broadcast %eq3A_15 : i32 to vector<16x1024xi32>
    %eq3A_17 = arith.cmpi eq, %iota3A, %eq3A_16 : vector<16x1024xi32>
    %get3A_18 = arith.constant 1 : index
    %get3A_19 = memref.load %arg0[%get3A_18] : memref<16xi32, #tpu.memory_space<smem>>
    %broadcast_in_dim3A_20 = vector.broadcast %get3A_19 : i32 to vector<16x1024xi32>
    %select_n3A_21 = arith.select %eq3A_17, %broadcast_in_dim3A_20, %select_n3A : vector<16x1024xi1>, vector<16x1024xi32>
    %eq3A_22 = arith.constant 2 : i32
    %eq3A_23 = vector.broadcast %eq3A_22 : i32 to vector<16x1024xi32>
    %eq3A_24 = arith.cmpi eq, %iota3A, %eq3A_23 : vector<16x1024xi32>
    %get3A_25 = arith.constant 2 : index
    %get3A_26 = memref.load %arg0[%get3A_25] : memref<16xi32, #tpu.memory_space<smem>>
    %broadcast_in_dim3A_27 = vector.broadcast %get3A_26 : i32 to vector<16x1024xi32>
    %select_n3A_28 = arith.select %eq3A_24, %broadcast_in_dim3A_27, %select_n3A_21 : vector<16x1024xi1>, vector<16x1024xi32>
    %eq3A_29 = arith.constant 3 : i32
    %eq3A_30 = vector.broadcast %eq3A_29 : i32 to vector<16x1024xi32>
    %eq3A_31 = arith.cmpi eq, %iota3A, %eq3A_30 : vector<16x1024xi32>
    %get3A_32 = arith.constant 3 : index
    %get3A_33 = memref.load %arg0[%get3A_32] : memref<16xi32, #tpu.memory_space<smem>>
    %broadcast_in_dim3A_34 = vector.broadcast %get3A_33 : i32 to vector<16x1024xi32>
    %select_n3A_35 = arith.select %eq3A_31, %broadcast_in_dim3A_34, %select_n3A_28 : vector<16x1024xi1>, vector<16x1024xi32>
    %eq3A_36 = arith.constant 4 : i32
    %eq3A_37 = vector.broadcast %eq3A_36 : i32 to vector<16x1024xi32>
    %eq3A_38 = arith.cmpi eq, %iota3A, %eq3A_37 : vector<16x1024xi32>
    %get3A_39 = arith.constant 4 : index
    %get3A_40 = memref.load %arg0[%get3A_39] : memref<16xi32, #tpu.memory_space<smem>>
    %broadcast_in_dim3A_41 = vector.broadcast %get3A_40 : i32 to vector<16x1024xi32>
    %select_n3A_42 = arith.select %eq3A_38, %broadcast_in_dim3A_41, %select_n3A_35 : vector<16x1024xi1>, vector<16x1024xi32>
    %eq3A_43 = arith.constant 5 : i32
    %eq3A_44 = vector.broadcast %eq3A_43 : i32 to vector<16x1024xi32>
    %eq3A_45 = arith.cmpi eq, %iota3A, %eq3A_44 : vector<16x1024xi32>
    %get3A_46 = arith.constant 5 : index
    %get3A_47 = memref.load %arg0[%get3A_46] : memref<16xi32, #tpu.memory_space<smem>>
    %broadcast_in_dim3A_48 = vector.broadcast %get3A_47 : i32 to vector<16x1024xi32>
    %select_n3A_49 = arith.select %eq3A_45, %broadcast_in_dim3A_48, %select_n3A_42 : vector<16x1024xi1>, vector<16x1024xi32>
    %eq3A_50 = arith.constant 6 : i32
    %eq3A_51 = vector.broadcast %eq3A_50 : i32 to vector<16x1024xi32>
    %eq3A_52 = arith.cmpi eq, %iota3A, %eq3A_51 : vector<16x1024xi32>
    %get3A_53 = arith.constant 6 : index
    %get3A_54 = memref.load %arg0[%get3A_53] : memref<16xi32, #tpu.memory_space<smem>>
    %broadcast_in_dim3A_55 = vector.broadcast %get3A_54 : i32 to vector<16x1024xi32>
    %select_n3A_56 = arith.select %eq3A_52, %broadcast_in_dim3A_55, %select_n3A_49 : vector<16x1024xi1>, vector<16x1024xi32>
    %eq3A_57 = arith.constant 7 : i32
    %eq3A_58 = vector.broadcast %eq3A_57 : i32 to vector<16x1024xi32>
    %eq3A_59 = arith.cmpi eq, %iota3A, %eq3A_58 : vector<16x1024xi32>
    %get3A_60 = arith.constant 7 : index
    %get3A_61 = memref.load %arg0[%get3A_60] : memref<16xi32, #tpu.memory_space<smem>>
    %broadcast_in_dim3A_62 = vector.broadcast %get3A_61 : i32 to vector<16x1024xi32>
    %select_n3A_63 = arith.select %eq3A_59, %broadcast_in_dim3A_62, %select_n3A_56 : vector<16x1024xi1>, vector<16x1024xi32>
    %eq3A_64 = arith.constant 8 : i32
    %eq3A_65 = vector.broadcast %eq3A_64 : i32 to vector<16x1024xi32>
    %eq3A_66 = arith.cmpi eq, %iota3A, %eq3A_65 : vector<16x1024xi32>
    %get3A_67 = arith.constant 8 : index
    %get3A_68 = memref.load %arg0[%get3A_67] : memref<16xi32, #tpu.memory_space<smem>>
    %broadcast_in_dim3A_69 = vector.broadcast %get3A_68 : i32 to vector<16x1024xi32>
    %select_n3A_70 = arith.select %eq3A_66, %broadcast_in_dim3A_69, %select_n3A_63 : vector<16x1024xi1>, vector<16x1024xi32>
    %eq3A_71 = arith.constant 9 : i32
    %eq3A_72 = vector.broadcast %eq3A_71 : i32 to vector<16x1024xi32>
    %eq3A_73 = arith.cmpi eq, %iota3A, %eq3A_72 : vector<16x1024xi32>
    %get3A_74 = arith.constant 9 : index
    %get3A_75 = memref.load %arg0[%get3A_74] : memref<16xi32, #tpu.memory_space<smem>>
    %broadcast_in_dim3A_76 = vector.broadcast %get3A_75 : i32 to vector<16x1024xi32>
    %select_n3A_77 = arith.select %eq3A_73, %broadcast_in_dim3A_76, %select_n3A_70 : vector<16x1024xi1>, vector<16x1024xi32>
    %eq3A_78 = arith.constant 10 : i32
    %eq3A_79 = vector.broadcast %eq3A_78 : i32 to vector<16x1024xi32>
    %eq3A_80 = arith.cmpi eq, %iota3A, %eq3A_79 : vector<16x1024xi32>
    %get3A_81 = arith.constant 10 : index
    %get3A_82 = memref.load %arg0[%get3A_81] : memref<16xi32, #tpu.memory_space<smem>>
    %broadcast_in_dim3A_83 = vector.broadcast %get3A_82 : i32 to vector<16x1024xi32>
    %select_n3A_84 = arith.select %eq3A_80, %broadcast_in_dim3A_83, %select_n3A_77 : vector<16x1024xi1>, vector<16x1024xi32>
    %eq3A_85 = arith.constant 11 : i32
    %eq3A_86 = vector.broadcast %eq3A_85 : i32 to vector<16x1024xi32>
    %eq3A_87 = arith.cmpi eq, %iota3A, %eq3A_86 : vector<16x1024xi32>
    %get3A_88 = arith.constant 11 : index
    %get3A_89 = memref.load %arg0[%get3A_88] : memref<16xi32, #tpu.memory_space<smem>>
    %broadcast_in_dim3A_90 = vector.broadcast %get3A_89 : i32 to vector<16x1024xi32>
    %select_n3A_91 = arith.select %eq3A_87, %broadcast_in_dim3A_90, %select_n3A_84 : vector<16x1024xi1>, vector<16x1024xi32>
    %eq3A_92 = arith.constant 12 : i32
    %eq3A_93 = vector.broadcast %eq3A_92 : i32 to vector<16x1024xi32>
    %eq3A_94 = arith.cmpi eq, %iota3A, %eq3A_93 : vector<16x1024xi32>
    %get3A_95 = arith.constant 12 : index
    %get3A_96 = memref.load %arg0[%get3A_95] : memref<16xi32, #tpu.memory_space<smem>>
    %broadcast_in_dim3A_97 = vector.broadcast %get3A_96 : i32 to vector<16x1024xi32>
    %select_n3A_98 = arith.select %eq3A_94, %broadcast_in_dim3A_97, %select_n3A_91 : vector<16x1024xi1>, vector<16x1024xi32>
    %eq3A_99 = arith.constant 13 : i32
    %eq3A_100 = vector.broadcast %eq3A_99 : i32 to vector<16x1024xi32>
    %eq3A_101 = arith.cmpi eq, %iota3A, %eq3A_100 : vector<16x1024xi32>
    %get3A_102 = arith.constant 13 : index
    %get3A_103 = memref.load %arg0[%get3A_102] : memref<16xi32, #tpu.memory_space<smem>>
    %broadcast_in_dim3A_104 = vector.broadcast %get3A_103 : i32 to vector<16x1024xi32>
    %select_n3A_105 = arith.select %eq3A_101, %broadcast_in_dim3A_104, %select_n3A_98 : vector<16x1024xi1>, vector<16x1024xi32>
    %eq3A_106 = arith.constant 14 : i32
    %eq3A_107 = vector.broadcast %eq3A_106 : i32 to vector<16x1024xi32>
    %eq3A_108 = arith.cmpi eq, %iota3A, %eq3A_107 : vector<16x1024xi32>
    %get3A_109 = arith.constant 14 : index
    %get3A_110 = memref.load %arg0[%get3A_109] : memref<16xi32, #tpu.memory_space<smem>>
    %broadcast_in_dim3A_111 = vector.broadcast %get3A_110 : i32 to vector<16x1024xi32>
    %select_n3A_112 = arith.select %eq3A_108, %broadcast_in_dim3A_111, %select_n3A_105 : vector<16x1024xi1>, vector<16x1024xi32>
    %eq3A_113 = arith.constant 15 : i32
    %eq3A_114 = vector.broadcast %eq3A_113 : i32 to vector<16x1024xi32>
    %eq3A_115 = arith.cmpi eq, %iota3A, %eq3A_114 : vector<16x1024xi32>
    %get3A_116 = arith.constant 15 : index
    %get3A_117 = memref.load %arg0[%get3A_116] : memref<16xi32, #tpu.memory_space<smem>>
    %broadcast_in_dim3A_118 = vector.broadcast %get3A_117 : i32 to vector<16x1024xi32>
    %select_n3A_119 = arith.select %eq3A_115, %broadcast_in_dim3A_118, %select_n3A_112 : vector<16x1024xi1>, vector<16x1024xi32>
    %eq3A_120 = arith.cmpf oeq, %get3A_7, %get3A_1 : vector<16x1024xf32>
    %select_n3A_121 = arith.select %eq3A_120, %get3A_4, %get3A_1 : vector<16x1024xi1>, vector<16x1024xf32>
    %log3A = math.log %select_n3A_121 : vector<16x1024xf32>
    %log3A_122 = math.log %get3A_7 : vector<16x1024xf32>
    %sub3A = arith.subf %log3A, %log3A_122 : vector<16x1024xf32>
    %lt3A = arith.cmpi slt, %iota3A_8, %select_n3A_119 : vector<16x1024xi32>
    %jit3A = arith.constant 0.000000e+00 : f32
    %broadcast_in_dim3A_123 = vector.broadcast %jit3A : f32 to vector<16x1024xf32>
    %select_n3A_124 = arith.select %lt3A, %sub3A, %broadcast_in_dim3A_123 : vector<16x1024xi1>, vector<16x1024xf32>
    %reduce_sum3A = vector.shape_cast %select_n3A_124 : vector<16x1024xf32> to vector<1x16x1024xf32>
    %reduce_sum3A_125 = arith.constant dense<0.000000e+00> : vector<1xf32>
    %reduce_sum3A_126 = vector.multi_reduction <add>, %reduce_sum3A, %reduce_sum3A_125 [1, 2] : vector<1x16x1024xf32> to vector<1xf32>
    %reduce_sum3A_127 = vector.shape_cast %reduce_sum3A_126 : vector<1xf32> to vector<1x1x1xf32>
    %reduce_sum3A_128 = vector.extract %reduce_sum3A_127[0, 0, 0] : f32 from vector<1x1x1xf32>
    %scan3A = arith.constant 0.000000e+00 : f32
    %scan3A_129 = arith.constant 0 : i32
    %scan3A_130 = arith.constant 16 : i32
    %scan3A_131 = arith.addi %scan3A_129, %scan3A_130 : i32
    %scan3A_132 = arith.constant 1 : i32
    %scan3A_133 = scf.for %scan3A_137 = %scan3A_129 to %scan3A_131 step %scan3A_132 iter_args(%scan3A_138 = %scan3A) -> (f32)  : i32 {
      %get3A_139 = arith.index_cast %scan3A_137 : i32 to index
      %get3A_140 = memref.load %arg0[%get3A_139] : memref<16xi32, #tpu.memory_space<smem>>
      %convert_element_type3A = arith.sitofp %get3A_140 : i32 to f32
      %add3A = arith.addf %scan3A_138, %convert_element_type3A : f32
      scf.yield %add3A : f32
    }
    %scan3A_134 = arith.constant 16 : i32
    %div3A = arith.divf %reduce_sum3A_128, %scan3A_133 : f32
    %swap3A = arith.constant 0 : index
    %swap3A_135 = arith.constant 0 : index
    %swap3A_136 = memref.load %arg4[%swap3A, %swap3A_135] : memref<1x1xf32, #tpu.memory_space<smem>>
    memref.store %div3A, %arg4[%swap3A, %swap3A_135] : memref<1x1xf32, #tpu.memory_space<smem>>
    return
  }
}

</mosaic_0001>

<sc_bundles>
// kernel: kernel.6.cloned.1.call-start
scs
__scs_entry_jumppad:
0x0: {  	(pc) =	sbr.rel $0x88, $3  }
0x1: {  	(tag) =	ssettag $0x0;
	lr =	simm.s32 $0x1  }
0x2: {  	[smem:$0x3F9D] =	sst lr;
	_ =	strace $0xD0000000  }
0x3: {  	_ = 	snop  }
0x4: {  	_ = 	snop  }
0x5: {  	_ = 	snop  }
0x6: {  	_ = 	snop  }
0x7: {  	_ = 	snop  }
__scs_overlays_trampoline_lowered:
0x8: {  	[smem:$0x3FAC] =	sst s0  }
0x9: {  	[smem:$0x3FAD] =	sst s1  }
0xa: {  	[smem:$0x3FAE] =	sst s2  }
0xb: {  	[smem:$0x3FAF] =	sst s3  }
0xc: {  	[smem:$0x3FB0] =	sst s4  }
0xd: {  	[smem:$0x3FB1] =	sst s5  }
0xe: {  	[smem:$0x3FB2] =	sst s6  }
0xf: {  	[smem:$0x3FB3] =	sst s7  }
0x10: {  	[smem:$0x3FB4] =	sst s8  }
0x11: {  	[smem:$0x3FB5] =	sst s9;
	s0 =	simm.s32 @!p0 $0x0  }
0x12: {  	s1 =	sld [smem:$0x3F9B];
	s0 =	simm.s32 @p0 $0x1  }
0x13: {  	[smem:$0x3FB6] =	sst s0;
	s0 =	simm.s32 @!p1 $0x0  }
0x14: {  	s2 =	sld [smem:$0x3F9A];
	s0 =	simm.s32 @p1 $0x1  }
0x15: {  	[smem:$0x3FB7] =	sst s0;
	s0 =	simm.s32 @!p2 $0x0  }
0x16: {  	s3 =	sld [smem:$0x3FDB];
	s0 =	simm.s32 @p2 $0x1  }
0x17: {  	s4 =	simm.s32 $0x1BF5;
	[smem:$0x3FB9] =	sst s0  }
0x18: {  	s0 =	sld [smem:$0x3F9C];
	_ =	swait.ge [sflag:s4], $0x0  }
0x19: {  	s7 =	sld [smem:$0x3F9D]  }
0x1a: {  	s8 =	sadd.s32 $0xFFFFE003, lr  }
0x1b: {  	s9 =	sadd.s32 $0xFFFFFEF7, lr;
	s5 =	simm.s32 $0xFFFFFFFF;
	p2 =	slt.u32 s8, $0xFFFFF086  }
0x1c: {  	p1 =	slt.u32 s9, $0xF7A;
	s5 =	simm.s32 @!p2 $0x0  }
0x1d: {  	s5 =	simm.s32 @p1 $0x1;
	p0 =	seq.s32 s7, s2  }
0x1e: {  	s7 =	smul.u32 @!p0 $0xF7A, s2;
	p2 =	seq.s32 @!p0 s5, $0x0  }
0x1f: {  	s9 =	smul.u32 $0xF7A, s1;
	s8 =	simm.s32 @!p0 $0x1BF5;
	p2 =	por !p2, p0  }
0x20: {  	[sflag:s8] =	ssyncset.s32 @!p0 $0xFFFFF086;
	s6 =	sadd.s32 @!p0 s3, s7;
	s7 =	simm.s32 @!p0 $0x108  }
0x21: {  	s3 =	sadd.s32 s3, s9;
	s6 =	sadd.s32 @!p0 $0x88, s6;
	s7 =	simm.s32 @p2 $0x1082  }
0x22: {  	[simem:s7], [sflag:s8] =	dma.local @!p0 [hbm:s6], $0xF7A  }
0x23: {  	s9 =	sor.u32 $0xD0000000, s2;
	s6 =	simm.s32 $0x108;
	_ =	swait.ge @!p0 [sflag:s8], $0x0  }
0x24: {  	s3 =	sadd.s32 $0x88, s3;
	s6 =	simm.s32 @!p1 $0x1082;
	[sflag:s4] =	ssyncset.s32 $0xFFFFF086  }
0x25: {  	[simem:s6], [sflag:s4] =	dma.local [hbm:s3], $0xF7A  }
0x26: {  	[smem:$0x3F9D] =	sst s1;
	(tag) =	ssettag s2;
	_ =	strace s9  }
0x27: {  	s1 =	sld [smem:$0x3FAD]  }
0x28: {  	s2 =	sld [smem:$0x3FAE]  }
0x29: {  	s4 =	sld [smem:$0x3FB0]  }
0x2a: {  	p0 =	seq.s32 s5, $0x0;
	s5 =	sld [smem:$0x3FB1]  }
0x2b: {  	s6 =	sld [smem:$0x3FB2]  }
0x2c: {  	s7 =	sld [smem:$0x3FB3]  }
0x2d: {  	s3 =	simm.s32 $0x108;
	s8 =	sld [smem:$0x3FB4]  }
0x2e: {  	s3 =	simm.s32 @!p0 $0x1082;
	s9 =	sld [smem:$0x3FB5]  }
0x2f: {  	lr =	sadd.s32 s0, s3;
	s0 =	sld [smem:$0x3FAC]  }
0x30: {  	s3 =	sld [smem:$0x3FAF]  }
0x31: {  	[smem:$0x3FB8] =	sst s10  }
0x32: {  	s10 =	sld [smem:$0x3FB6];
	_ =	sdelay $0x3  }
0x33: {  	p0 =	seq.s32 s10, $0x1;
	s10 =	sld [smem:$0x3FB8];
	_ =	sdelay $0x3  }
0x34: {  	[smem:$0x3FB8] =	sst s10  }
0x35: {  	s10 =	sld [smem:$0x3FB7];
	_ =	sdelay $0x3  }
0x36: {  	p1 =	seq.s32 s10, $0x1;
	s10 =	sld [smem:$0x3FB8];
	_ =	sdelay $0x3  }
0x37: {  	[smem:$0x3FB8] =	sst s10  }
0x38: {  	s10 =	sld [smem:$0x3FB9]  }
0x39: {  	_ = 	snop;
	(pc) =	sbr.ind lr, $3  }
0x3a: {  	_ = 	snop  }
0x3b: {  	_ = 	snop  }
0x3c: {  	p2 =	seq.s32 s10, $0x1;
	s10 =	sld [smem:$0x3FB8]  }
0x3d: {  	_ =	shalt  }
0x3e: {  	_ =	shalt  }
0x3f: {  	_ =	shalt  }
0x40: {  	_ =	shalt  }
0x41: {  	_ =	shalt  }
0x42: {  	_ =	shalt  }
0x43: {  	_ =	shalt  }
0x44: {  	_ =	shalt  }
0x45: {  	_ =	shalt  }
0x46: {  	_ =	shalt  }
0x47: {  	_ =	shalt  }
0x48: {  	_ =	shalt  }
0x49: {  	_ =	shalt  }
0x4a: {  	_ =	shalt  }
0x4b: {  	_ =	shalt  }
0x4c: {  	_ =	shalt  }
0x4d: {  	_ =	shalt  }
0x4e: {  	_ =	shalt  }
0x4f: {  	_ =	shalt  }
0x50: {  	_ =	shalt  }
0x51: {  	_ =	shalt  }
0x52: {  	_ =	shalt  }
0x53: {  	_ =	shalt  }
0x54: {  	_ =	shalt  }
0x55: {  	_ =	shalt  }
0x56: {  	_ =	shalt  }
0x57: {  	_ =	shalt  }
0x58: {  	_ =	shalt  }
0x59: {  	_ =	shalt  }
0x5a: {  	_ =	shalt  }
0x5b: {  	_ =	shalt  }
0x5c: {  	_ =	shalt  }
0x5d: {  	_ =	shalt  }
0x5e: {  	_ =	shalt  }
0x5f: {  	_ =	shalt  }
0x60: {  	_ =	shalt  }
0x61: {  	_ =	shalt  }
0x62: {  	_ =	shalt  }
0x63: {  	_ =	shalt  }
0x64: {  	_ =	shalt  }
0x65: {  	_ =	shalt  }
0x66: {  	_ =	shalt  }
0x67: {  	_ =	shalt  }
0x68: {  	_ =	shalt  }
0x69: {  	_ =	shalt  }
0x6a: {  	_ =	shalt  }
0x6b: {  	_ =	shalt  }
0x6c: {  	_ =	shalt  }
0x6d: {  	_ =	shalt  }
0x6e: {  	_ =	shalt  }
0x6f: {  	_ =	shalt  }
0x70: {  	_ =	shalt  }
0x71: {  	_ =	shalt  }
0x72: {  	_ =	shalt  }
0x73: {  	_ =	shalt  }
0x74: {  	_ =	shalt  }
0x75: {  	_ =	shalt  }
0x76: {  	_ =	shalt  }
0x77: {  	_ =	shalt  }
0x78: {  	_ =	shalt  }
0x79: {  	_ =	shalt  }
0x7a: {  	_ =	shalt  }
0x7b: {  	_ =	shalt  }
0x7c: {  	_ =	shalt  }
0x7d: {  	_ =	shalt  }
0x7e: {  	_ =	shalt  }
0x7f: {  	_ =	shalt  }
0x80: {  	_ =	shalt  }
0x81: {  	_ =	shalt  }
0x82: {  	_ =	shalt  }
0x83: {  	_ =	shalt  }
0x84: {  	_ =	shalt  }
0x85: {  	_ =	shalt  }
0x86: {  	_ =	shalt  }
0x87: {  	_ =	shalt  }
.Lfunc_end0:
.L_simem_size_0:
called_computation_lowered:
.L_overlay_start_0:
0x88: {  	s2 =	sld [smem:$0x3FD9]  }
0x89: {  	s3 =	sld [smem:$0x3FFE];
	_ =	sdelay $0x1  }
0x8a: {  	s1 =	srdreg.scid  }
0x8b: {  	s0 =	sand.u32 $0x1, s1  }
0x8c: {  	s16 =	sshll.u32 s0, $0xA;
	s2 =	sadd.s32 s3, s2  }
0x8d: {  	s2 =	sadd.s32 s2, s16  }
0x8e: {  	[smem:$0x3FC4] =	sst s2  }
0x8f: {  	_ = 	snop  }
0x90: {  	(tm) =	ssettm $0x1  }
0x91: {  	s17 =	sld [smem:$0x3FFB];
	_ =	sdelay $0x3  }
0x92: {  	_ =	strace s17  }
0x93: {  	s2 =	sld [smem:$0x3FFC];
	_ =	sdelay $0x3  }
0x94: {  	_ =	strace s2  }
0x95: {  	s2 =	sld [smem:$0x3FFD];
	_ =	sdelay $0x3  }
0x96: {  	_ =	strace s2  }
0x97: {  	_ =	strace $0x8FFFFFFF  }
0x98: {  	s18 =	sld [smem:$0x3FDB];
	_ =	sdelay $0x1  }
0x99: {  	s19 =	simm.s32 $_scs_section_size  }
0x9a: {  	s4 =	simm.s32 $_size__tile_overlayer_lowered;
	s5 =	simm.s32 $_tile_overlayer_lowered  }
0x9b: {  	s22 =	simm.s32 $0x1BFF;
	s21 =	sshll.u32 s5, $0x1;
	s2 =	sadd.s32 s19, s18  }
0x9c: {  	s6 =	simm.s32 $0x0;
	s20 =	sshll.u32 s4, $0x1;
	s4 =	sadd.s32 s21, s2  }
0x9d: {  	[timem:s6], [sflag:s22] =	dma.local [hbm:s4], s20  }
0x9e: {  	_ =	swait.ge [sflag:s22], s20  }
0x9f: {  	s3 =	ssub.s32 $0x0, s20;
	[sflag:s22] =	ssyncset.done $0x0  }
0xa0: {  	[sflag:s22] =	ssyncadd.s32 s3;
	_ =	sdelay $0x1  }
0xa1: {  	s23 =	simm.s32 $0x1B8B  }
0xa2: {  	_ =	swait.ge [sflag:s23], $0x1  }
0xa3: {  	[sflag:s23] =	ssyncset.done $0x0  }
0xa4: {  	s25 =	simm.s32 $0x1B8E;
	s24 =	sld [smem:$0x3FFE];
	[sflag:s23] =	ssyncadd.s32 $0xFFFFFFFF  }
0xa5: {  	s26 =	simm.s32 $execute0_lowered;
	[smem:$0x3FD2] =	sst s25  }
0xa6: {  	s4 =	sshll.u32 s26, $0x1;
	_ =	strace $0x80000046;
	[dreg:$0x1] =	wrdreg $0xFFFFFFFF  }
0xa7: {  	s28 =	simm.s32 $_size_execute0_lowered;
	s2 =	sadd.s32 s2, s4;
	[dreg:$0x0] =	wrdreg $0x0  }
0xa8: {  	s4 =	sshll.u32 s28, $0x1;
	[dreg:$0x2] =	wrdreg s2  }
0xa9: {  	[dreg:$0x3] =	wrdreg s4  }
0xaa: {  	[dreg:$0x4] =	wrdreg $0xC0  }
0xab: {  	_ =	task [dreg:s6], $0x5FFFF  }
0xac: {  	[dreg:$0x1] =	wrdreg $0xFFFFFFFF  }
0xad: {  	[dreg:$0x0] =	wrdreg $0x60  }
0xae: {  	[dreg:$0x2] =	wrdreg s24  }
0xaf: {  	[dreg:$0x3] =	wrdreg $0x9  }
0xb0: {  	_ =	task.clear_ibuf [dreg:s6], $0x4FFFF;
	_ =	strace $0x90000046  }
0xb1: {  	s29 =	simm.s32 $0x9;
	_ =	strace $0x80000048  }
0xb2: {  	_ =	swait.ge [sflag:s29], $0x1  }
0xb3: {  	[sflag:s29] =	ssyncadd.s32 $0xFFFFFFFF  }
0xb4: {  	_ =	strace $0x90000048  }
0xb5: {  	_ =	sfence  }
0xb6: {  	s30 =	sld [smem:$0x0];
	_ =	sdelay $0x2  }
0xb7: {  	s31 =	sshll.u32 s1, $0xD;
	s1 =	sshrl.u32 s1, $0x2  }
0xb8: {  	s3 =	sand.u32 $0x4000, s31;
	s1 =	sadd.s32 s1, s30  }
0xb9: {  	s0 =	sor.u32 s3, s0;
	s1 =	sshll.u32 s1, $0x11  }
0xba: {  	s0 =	sor.u32 s1, s0  }
0xbb: {  	s0 =	sadd.s32 $0x8F2B, s0  }
0xbc: {  	[sflag:s0] =	ssyncadd.remote.s32 $0x1  }
0xbd: {  	_ =	sfence.sel $0xFFFF  }
0xbe: {  	[dreg:$0x0] =	wrdreg $0xFFFFFFFF;
	(pc) =	sbr.abs _section_cstart, $3  }
0xbf: {  	[dreg:$0x1] =	wrdreg $0xFFFFFFFF  }
0xc0: {  	_ =	task.clear_ibuf [dreg:s6], $0x2FFFF;
	_ =	strace $0x9FFFFFFF  }
0xc1: {  	(tm) =	ssettm $0x7FFFFFFF  }
tec
execute0_lowered:
.L_overlay_start_1:
0x0: {  	(tag) =	ssettag $0x1  }
0x1: {  	s4 =	rddreg [dreg:$0x0]  }
0x2: {  	s0 =	rddreg [dreg:$0x1];
	s3 =	srdreg.scid  }
0x3: {  	s2 =	simm.s32 $0x0;
	s1 =	stileid.u32;
	s8 =	simm.s32 $0x2  }
0x4: {  	s9 =	simm.s32 $0x400;
	s10 =	simm.s32 $0x1;
	s11 =	simm.s32 $0x10400  }
0x5: {  	s12 =	simm.s32 $0x0;
	s3 =	sand.u32 $0x1, s3;
	[smem:$0x7FF] =	sst s2  }
0x6: {  	s5 =	sshll.u32 s1, $0x7;
	s6 =	sshll.u32 s3, $0x6;
	s7 =	ssub.s32 $0x2, s3  }
0x7: {  	_ =	strace $0x80000047;
	s5 =	sor.u32 s6, s5;
	s31 =	sshrl.u32 s7, $0x1  }
0x8: {  	v0 =	vlaneseq.u32;
	s3 =	sadd.s32 $0x1000, s4;
	s4 =	sadd.s32 s4, s5;
	s7 =	ssub.s32 s7, s31  }
0x9: {  	v0 =	vmul.u32 $0x80, v0;
	s5 =	sadd.s32 $0x800, s4;
	s6 =	sadd.s32 $0x201000, s4;
	s7 =	smax.u32 s7, $0x1  }
.LBB2_1:
0xa: {  	[tilespmem:s2], [sflag:$0x2] =	stream.linear.gather [hbm4b:s4+s2], $0x200, $0x38;
	[tilespmem:$0x10600] =	vst v63  }
0xb: {  	_ =	swait.ge [sflag:s8], $0x200  }
0xc: {  	[sflag:s8] =	ssyncset.done $0x0  }
0xd: {  	s13 =	simm.s32 $0x200;
	[sflag:s8] =	ssyncadd.s32 $0xFFFFFE00  }
0xe: {  	[tilespmem:s13], [sflag:$0x2] =	stream.linear.gather [hbm4b:s5+s2], $0x200, $0x38;
	[tilespmem:$0x10600] =	vst v63  }
0xf: {  	_ =	swait.ge [sflag:s8], $0x200  }
0x10: {  	[sflag:s8] =	ssyncset.done $0x0  }
0x11: {  	[sflag:s8] =	ssyncadd.s32 $0xFFFFFE00  }
0x12: {  	[tilespmem:s9], [sflag:$0x1] =	stream.indirect.gather [hbm4b:s3+s13], $0x80, s2, s13, $0xb8;
	[tilespmem:$0x10600] =	vst v63  }
0x13: {  	_ =	swait.ge [sflag:s10], $0x10000  }
0x14: {  	[sflag:s10] =	ssyncset.done $0x0  }
0x15: {  	[sflag:s10] =	ssyncadd.s32 $0xFFFF0000  }
0x16: {  	v1 =	vld [tilespmem:s13+$0x0];
	_ =	sdelay $0x2  }
0x17: {  	v2 =	vmov s2  }
0x18: {  	v2 =	vshll.u32 v2, $0x7  }
0x19: {  	v2 =	vor.u32 v0, v2;
	v3 =	vand.u32 $0xFFFFFF80, v1  }
0x1a: {  	v1 =	vand.u32 $0x7F, v1;
	v2 =	vadd.s32 v2, v3  }
0x1b: {  	v1 =	vor.u32 v1, v2;
	_ =	sdelay $0x4  }
0x1c: {  	v1 =	vld.idx.msk [tilespmem:v1+s9+$0x0], $0xffff;
	_ =	sdelay $0x4  }
0x1d: {  	s14 =	simm.s32 $0x210;
	[tilespmem:s11+$0x0] =	vst v1  }
0x1e: {  	s15 =	simm.s32 $0x10;
	s16 =	simm.s32 $0x20;
	s13 =	simm.s32 $0x10400;
	v1 =	vld [tilespmem:s14+$0x0]  }
.LBB2_2:
0x1f: {  	p0 =	sne.s32 s16, $0x1F0;
	_ =	sdelay $0x1  }
0x20: {  	v2 =	vmov s15;
	s15 =	smov.u32 s16  }
0x21: {  	v2 =	vshll.u32 v2, $0x7  }
0x22: {  	v2 =	vor.u32 v0, v2;
	v3 =	vand.u32 $0xFFFFFF80, v1  }
0x23: {  	v1 =	vand.u32 $0x7F, v1;
	v2 =	vadd.s32 v2, v3  }
0x24: {  	v1 =	vor.u32 v1, v2;
	_ =	sdelay $0x4  }
0x25: {  	v1 =	vld.idx.msk [tilespmem:v1+s9+$0x0], $0xffff;
	_ =	sdelay $0x2  }
.Ltmp0:
0x26: {  	(pc) =	sbr.rel @p0 .LBB2_2-.Ltmp0, $4  }
0x27: {  	_ = 	snop  }
0x28: {  	s13 =	sadd.s32 $0x10, s13  }
0x29: {  	s14 =	sadd.s32 $0x10, s14;
	[tilespmem:s13+$0x0] =	vst v1  }
0x2a: {  	s16 =	sadd.s32 $0x10, s16;
	v1 =	vld [tilespmem:s14+$0x0]  }
0x2b: {  	_ =	sdelay $0x1  }
0x2c: {  	v2 =	vmov s15  }
0x2d: {  	v2 =	vshll.u32 v2, $0x7  }
0x2e: {  	v2 =	vor.u32 v0, v2;
	v3 =	vand.u32 $0xFFFFFF80, v1  }
0x2f: {  	v1 =	vand.u32 $0x7F, v1;
	v2 =	vadd.s32 v2, v3  }
0x30: {  	v1 =	vor.u32 v1, v2;
	_ =	sdelay $0x4  }
0x31: {  	v1 =	vld.idx.msk [tilespmem:v1+s9+$0x0], $0xffff;
	_ =	sdelay $0x2  }
0x32: {  	s12 =	sadd.s32 $0x1, s12  }
0x33: {  	s13 =	sadd.s32 $0x10, s13;
	p0 =	sne.s32 s12, s7  }
.Ltmp1:
0x34: {  	[tilespmem:s13+$0x0] =	vst v1;
	(pc) =	sbr.rel @p0 .LBB2_1-.Ltmp1, $4  }
0x35: {  	[hbm4b:s6+s2] =	stream.linear.scatter [tilespmem:s11], [sflag:$0x2], $0x200, $0x38;
	[tilespmem:$0x10600] =	vst v63  }
0x36: {  	_ =	swait.ge [sflag:s8], $0x200  }
0x37: {  	[sflag:s8] =	ssyncset.done $0x0  }
0x38: {  	[sflag:s8] =	ssyncadd.s32 $0xFFFFFE00  }
0x39: {  	_ =	sfence.sel $0x180000  }
0x3a: {  	[bflag:$0x0] =	sbarrier.arrive $0xFFFF  }
0x3b: {  	p0 =	sne.s32 s1, $0x0;
	_ =	strace $0x90000047  }
0x3c: {  	s0 =	sadd.s32 @!p0 $0x100000, s0;
	[bflag:$0x2] =	sbarrier.arrive $0xFFFF  }
0x3d: {  	[sflag:s0] =	ssyncadd.tile.s32 @!p0 $0x1;
	_ =	shalt  }
.Lfunc_end2:
_tile_overlayer_lowered:
.L_overlay_start_2:
0x3e: {  	(tag) =	ssettag $0x2  }
0x3f: {  	s0 =	rddreg [dreg:$0x0];
	s2 =	stileid.u32  }
0x40: {  	s1 =	rddreg [dreg:$0x1];
	p0 =	sne.s32 s2, $0x0  }
0x41: {  	s3 =	rddreg [dreg:$0x2];
	[bflag:$0x3] =	sbarrier.arrive $0xFFFF;
	s2 =	simm.s32 @!p0 $0x1C02  }
0x42: {  	[timem:s3], [sflag:s2] =	dma.local @!p0 [hbm:s0], s1  }
0x43: {  	s0 =	simm.s32 @!p0 $0x2  }
0x44: {  	_ =	swait.ge @!p0 [sflag:s0], s1  }
0x45: {  	s1 =	ssub.s32 @!p0 $0x0, s1;
	[sflag:s0] =	ssyncset.done @!p0 $0x0  }
0x46: {  	[sflag:s0] =	ssyncadd.s32 @!p0 s1  }
0x47: {  	[bflag:$0x3] =	sbarrier.arrive $0xFFFF  }
0x48: {  	_ =	shalt  }

</sc_bundles>
